<compile_context>
chip_gen: v7x
topology: tpu7x:2x2x1
jax: 0.10.2.dev20260603
libtpu: 0.0.44.dev20260713+nightly
codegen_flags: <defaults>
</compile_context>

<pallas_src>
import jax
import jax.numpy as jnp
from jax import lax
from jax.experimental import pallas as pl
from jax.experimental.pallas import tpu as pltpu
from jax.experimental.pallas import tpu_sc as plsc

VOCAB = 100000
EMBED_DIM = 64
BATCH = 1024
CTX = 10
ROWS = BATCH * CTX

_NC = 2
_NS = 16
_NW = _NC * _NS
_ROWS_PER_W = ROWS // _NW
_IDX_CHUNK = 64
_NCHUNK = _ROWS_PER_W // _IDX_CHUNK

_B_PER_W = BATCH // _NW
_L = 16


def _sc_gather_body(table_hbm, idx_hbm, out_hbm, idx_v, rows_v, mean_v, sem):
    wid = lax.axis_index("s") * _NC + lax.axis_index("c")
    pltpu.sync_copy(idx_hbm.at[pl.ds(wid * _ROWS_PER_W, _ROWS_PER_W)], idx_v)
    copies = [
        pltpu.async_copy(
            table_hbm.at[idx_v.at[pl.ds(k * _IDX_CHUNK, _IDX_CHUNK)]],
            rows_v.at[pl.ds(k * _IDX_CHUNK, _IDX_CHUNK)],
            sem,
        )
        for k in range(_NCHUNK)
    ]
    for c in copies:
        c.wait()

    def _row(i, carry):
        for c in range(EMBED_DIM // _L):
            acc = rows_v[i * CTX, pl.ds(c * _L, _L)]
            for j in range(1, CTX):
                acc = acc + rows_v[i * CTX + j, pl.ds(c * _L, _L)]
            mean_v[i, pl.ds(c * _L, _L)] = acc * (1.0 / CTX)
        return carry

    lax.fori_loop(0, _B_PER_W, _row, 0)
    pltpu.sync_copy(mean_v, out_hbm.at[pl.ds(wid * _B_PER_W, _B_PER_W)])


@jax.jit
def _sc_gather_mean(table, idx1d):
    mesh = plsc.VectorSubcoreMesh(
        core_axis_name="c", subcore_axis_name="s",
        num_cores=_NC, num_subcores=_NS,
    )
    return pl.kernel(
        _sc_gather_body,
        out_type=jax.ShapeDtypeStruct((BATCH, EMBED_DIM), jnp.float32),
        mesh=mesh,
        scratch_types=[
            pltpu.VMEM((_ROWS_PER_W,), jnp.int32),
            pltpu.VMEM((_ROWS_PER_W, EMBED_DIM), jnp.float32),
            pltpu.VMEM((_B_PER_W, EMBED_DIM), jnp.float32),
            pltpu.SemaphoreType.DMA,
        ],
        compiler_params=pltpu.CompilerParams(use_tc_tiling_on_sc=False),
    )(table, idx1d)


_BC = 32
_NB = BATCH // _BC
_NSTREAM = 8
_RPS = _BC // _NSTREAM


def _fused_body(mean_ref, wt_ref, b_ref, out_ref, buf, sems):
    bidx = pl.program_id(0)
    slot = lax.rem(bidx, 2)
    base = bidx * _BC

    def _copies(s, b0):
        return [
            pltpu.make_async_copy(
                buf.at[s, pl.ds(k * _RPS, _RPS), :],
                out_ref.at[pl.ds(b0 + k * _RPS, _RPS), :],
                sems.at[s, k],
            )
            for k in range(_NSTREAM)
        ]

    @pl.when(bidx >= 2)
    def _drain():
        for c in _copies(slot, base):
            c.wait()

    mc = mean_ref[pl.ds(base, _BC), :].astype(jnp.bfloat16)
    logits = lax.dot_general(
        mc, wt_ref[...],
        (((1,), (0,)), ((), ())),
        preferred_element_type=jnp.float32,
    ) + b_ref[...]
    s = jnp.sum(jnp.exp(logits), axis=1, keepdims=True)
    buf[slot] = logits - jnp.log(s)

    for c in _copies(slot, base):
        c.start()

    @pl.when(bidx == _NB - 1)
    def _fin():
        for c in _copies(slot, base):
            c.wait()
        for c in _copies(1 - slot, base - _BC):
            c.wait()


@jax.jit
def _tc_logsoftmax(mean, Wt, b2):
    return pl.pallas_call(
        _fused_body,
        grid=(_NB,),
        in_specs=[
            pl.BlockSpec((BATCH, EMBED_DIM), lambda b: (0, 0)),
            pl.BlockSpec((EMBED_DIM, VOCAB), lambda b: (0, 0)),
            pl.BlockSpec((1, VOCAB), lambda b: (0, 0)),
        ],
        out_specs=pl.BlockSpec(memory_space=pltpu.HBM),
        out_shape=jax.ShapeDtypeStruct((BATCH, VOCAB), jnp.float32),
        scratch_shapes=[
            pltpu.VMEM((2, _BC, VOCAB), jnp.float32),
            pltpu.SemaphoreType.DMA((2, _NSTREAM)),
        ],
        compiler_params=pltpu.CompilerParams(
            dimension_semantics=("arbitrary",),
        ),
    )(mean, Wt, b2)


def kernel(inputs, emb_table, W, b):
    idx1d = inputs.astype(jnp.int32).reshape(ROWS)
    mean = _sc_gather_mean(emb_table, idx1d)
    Wt = W.astype(jnp.bfloat16).T
    return _tc_logsoftmax(mean, Wt, b.reshape(1, VOCAB))

# --- scband reference (transcript-rebuilt; emitter-appended) ---
"""Pipeline reference for scband-cbow-38096359916159 (READ-ONLY COPY).

The authoritative reference and input builder live on the scoring server;
editing this copy changes nothing except your own understanding.
"""

import jax, jax.numpy as jnp
import numpy as np

VOCAB = 100000
EMBED_DIM = 64
BATCH = 1024
CTX = 10


def setup_inputs(seed: int = 0) -> dict:
    key = jax.random.key(seed)
    k_idx, k_emb, k_w, k_b = jax.random.split(key, 4)
    inputs = jax.random.randint(k_idx, (BATCH, CTX), 0, VOCAB, dtype=jnp.int64 if jax.config.jax_enable_x64 else jnp.int32)
    emb_table = jax.random.normal(k_emb, (VOCAB, EMBED_DIM), dtype=jnp.float32) * 0.02
    # torch nn.Linear(embedding_dim, vocab_size): weight [vocab, embed_dim], bias [vocab]
    lim = 1.0 / np.sqrt(EMBED_DIM)
    W = jax.random.uniform(k_w, (VOCAB, EMBED_DIM), dtype=jnp.float32, minval=-lim, maxval=lim)
    b = jax.random.uniform(k_b, (VOCAB,), dtype=jnp.float32, minval=-lim, maxval=lim)
    return {"inputs": inputs, "emb_table": emb_table, "W": W, "b": b}


def reference(inputs, emb_table, W, b):
    # embeds = self.embeddings(inputs)  -> gather rows
    embeds = jnp.take(emb_table, inputs, axis=0)           # [B, CTX, D]
    mean = jnp.mean(embeds, axis=1)                         # [B, D]
    out = mean @ W.T + b                                    # [B, V]
    log_probs = jax.nn.log_softmax(out, axis=1)
    return log_probs

if __name__ == "__main__":
    import jax
    _d = setup_inputs()
    print(jax.jit(kernel)(*tuple(_d.values())))

</pallas_src>

<mosaic_0001>
#map = affine_map<(d0, d1) -> (0, 0)>
#map1 = affine_map<(d0, d1) -> (0)>
module attributes {stable_mosaic.version = 14 : i64} {
  func.func @_sc_gather_body(%arg0: i32, %arg1: i32, %arg2: memref<100000x64xf32, #tpu.memory_space<hbm>>, %arg3: memref<10240xi32, #tpu.memory_space<hbm>>, %arg4: memref<1024x64xf32, #tpu.memory_space<hbm>>, %arg5: memref<320xi32, #tpu.memory_space<vmem>>, %arg6: memref<320x64xf32, #tpu.memory_space<vmem>>, %arg7: memref<32x64xf32, #tpu.memory_space<vmem>>, %arg8: memref<!tpu.dma_semaphore, #tpu.memory_space<semaphore_mem>>) attributes {dimension_semantics = [#tpu.dimension_semantics<core_parallel>, #tpu.dimension_semantics<subcore_parallel>], iteration_bounds = array<i64: 2, 16>, scalar_prefetch = 0 : i64, scratch_operands = 4 : i64, tpu.core_type = #tpu.core_type<sc_vector_subcore>, window_params = [{transform_indices = #map}, {transform_indices = #map1}, {transform_indices = #map}]} {
    %mul3A = arith.constant 2 : i32
    %mul3A_0 = arith.muli %arg1, %mul3A : i32
    %add3A = arith.addi %mul3A_0, %arg0 : i32
    %mul3A_1 = arith.constant 320 : i32
    %mul3A_2 = arith.muli %add3A, %mul3A_1 : i32
    "tpu.region"() ({
      %run_scoped3A = tpu.sem_alloc : memref<!tpu.dma_semaphore, #tpu.memory_space<semaphore_mem>>
      %dma_start3A_88 = tpu.memref_slice %arg3[%mul3A_2] : memref<10240xi32, #tpu.memory_space<hbm>> -> memref<320xi32, #tpu.memory_space<hbm>>
      %dma_start3A_89 = tpu.memref_slice %arg3[%mul3A_2] : memref<10240xi32, #tpu.memory_space<hbm>> -> memref<320xi32, #tpu.memory_space<hbm>>
      tpu.enqueue_dma source(%dma_start3A_89 : memref<320xi32, #tpu.memory_space<hbm>>) target(%arg5 : memref<320xi32, #tpu.memory_space<vmem>>) target_semaphore(%run_scoped3A : memref<!tpu.dma_semaphore, #tpu.memory_space<semaphore_mem>>)
      %dma_wait3A_90 = tpu.memref_slice %arg3[%mul3A_2] : memref<10240xi32, #tpu.memory_space<hbm>> -> memref<320xi32, #tpu.memory_space<hbm>>
      %dma_wait3A_91 = tpu.memref_slice %arg3[%mul3A_2] : memref<10240xi32, #tpu.memory_space<hbm>> -> memref<320xi32, #tpu.memory_space<hbm>>
      tpu.wait_dma2 semaphore(%run_scoped3A : memref<!tpu.dma_semaphore, #tpu.memory_space<semaphore_mem>>) src(%dma_wait3A_91 : memref<320xi32, #tpu.memory_space<hbm>>) dst(%arg5 : memref<320xi32, #tpu.memory_space<vmem>>)
      tpu.yield
    }) : () -> ()
    %dma_start3A = arith.constant 0 : i32
    %dma_start3A_3 = arith.constant 0 : i32
    %dma_start3A_4 = tpu.memref_slice %arg6[%dma_start3A, %dma_start3A_3] : memref<320x64xf32, #tpu.memory_space<vmem>> -> memref<64x64xf32, #tpu.memory_space<vmem>>
    %dma_start3A_5 = arith.constant 0 : i32
    %dma_start3A_6 = tpu.memref_slice %arg5[%dma_start3A_5] : memref<320xi32, #tpu.memory_space<vmem>> -> memref<64xi32, #tpu.memory_space<vmem>>
    %dma_start3A_7 = arith.constant 0 : i32
    %dma_start3A_8 = arith.constant 0 : i32
    %dma_start3A_9 = tpu.memref_slice %arg2[%dma_start3A_7, %dma_start3A_8] : memref<100000x64xf32, #tpu.memory_space<hbm>> -> memref<100000x64xf32, #tpu.memory_space<hbm>>
    tpu.enqueue_indirect_dma source(%dma_start3A_9 : memref<100000x64xf32, #tpu.memory_space<hbm>>) target(%dma_start3A_4 : memref<64x64xf32, #tpu.memory_space<vmem>>) offsets(%dma_start3A_6 : memref<64xi32, #tpu.memory_space<vmem>>) semaphore(%arg8 : memref<!tpu.dma_semaphore, #tpu.memory_space<semaphore_mem>>)
    %dma_start3A_10 = arith.constant 64 : i32
    %dma_start3A_11 = arith.constant 0 : i32
    %dma_start3A_12 = tpu.memref_slice %arg6[%dma_start3A_10, %dma_start3A_11] : memref<320x64xf32, #tpu.memory_space<vmem>> -> memref<64x64xf32, #tpu.memory_space<vmem>>
    %dma_start3A_13 = arith.constant 64 : i32
    %dma_start3A_14 = tpu.memref_slice %arg5[%dma_start3A_13] : memref<320xi32, #tpu.memory_space<vmem>> -> memref<64xi32, #tpu.memory_space<vmem>>
    %dma_start3A_15 = arith.constant 0 : i32
    %dma_start3A_16 = arith.constant 0 : i32
    %dma_start3A_17 = tpu.memref_slice %arg2[%dma_start3A_15, %dma_start3A_16] : memref<100000x64xf32, #tpu.memory_space<hbm>> -> memref<100000x64xf32, #tpu.memory_space<hbm>>
    tpu.enqueue_indirect_dma source(%dma_start3A_17 : memref<100000x64xf32, #tpu.memory_space<hbm>>) target(%dma_start3A_12 : memref<64x64xf32, #tpu.memory_space<vmem>>) offsets(%dma_start3A_14 : memref<64xi32, #tpu.memory_space<vmem>>) semaphore(%arg8 : memref<!tpu.dma_semaphore, #tpu.memory_space<semaphore_mem>>)
    %dma_start3A_18 = arith.constant 128 : i32
    %dma_start3A_19 = arith.constant 0 : i32
    %dma_start3A_20 = tpu.memref_slice %arg6[%dma_start3A_18, %dma_start3A_19] : memref<320x64xf32, #tpu.memory_space<vmem>> -> memref<64x64xf32, #tpu.memory_space<vmem>>
    %dma_start3A_21 = arith.constant 128 : i32
    %dma_start3A_22 = tpu.memref_slice %arg5[%dma_start3A_21] : memref<320xi32, #tpu.memory_space<vmem>> -> memref<64xi32, #tpu.memory_space<vmem>>
    %dma_start3A_23 = arith.constant 0 : i32
    %dma_start3A_24 = arith.constant 0 : i32
    %dma_start3A_25 = tpu.memref_slice %arg2[%dma_start3A_23, %dma_start3A_24] : memref<100000x64xf32, #tpu.memory_space<hbm>> -> memref<100000x64xf32, #tpu.memory_space<hbm>>
    tpu.enqueue_indirect_dma source(%dma_start3A_25 : memref<100000x64xf32, #tpu.memory_space<hbm>>) target(%dma_start3A_20 : memref<64x64xf32, #tpu.memory_space<vmem>>) offsets(%dma_start3A_22 : memref<64xi32, #tpu.memory_space<vmem>>) semaphore(%arg8 : memref<!tpu.dma_semaphore, #tpu.memory_space<semaphore_mem>>)
    %dma_start3A_26 = arith.constant 192 : i32
    %dma_start3A_27 = arith.constant 0 : i32
    %dma_start3A_28 = tpu.memref_slice %arg6[%dma_start3A_26, %dma_start3A_27] : memref<320x64xf32, #tpu.memory_space<vmem>> -> memref<64x64xf32, #tpu.memory_space<vmem>>
    %dma_start3A_29 = arith.constant 192 : i32
    %dma_start3A_30 = tpu.memref_slice %arg5[%dma_start3A_29] : memref<320xi32, #tpu.memory_space<vmem>> -> memref<64xi32, #tpu.memory_space<vmem>>
    %dma_start3A_31 = arith.constant 0 : i32
    %dma_start3A_32 = arith.constant 0 : i32
    %dma_start3A_33 = tpu.memref_slice %arg2[%dma_start3A_31, %dma_start3A_32] : memref<100000x64xf32, #tpu.memory_space<hbm>> -> memref<100000x64xf32, #tpu.memory_space<hbm>>
    tpu.enqueue_indirect_dma source(%dma_start3A_33 : memref<100000x64xf32, #tpu.memory_space<hbm>>) target(%dma_start3A_28 : memref<64x64xf32, #tpu.memory_space<vmem>>) offsets(%dma_start3A_30 : memref<64xi32, #tpu.memory_space<vmem>>) semaphore(%arg8 : memref<!tpu.dma_semaphore, #tpu.memory_space<semaphore_mem>>)
    %dma_start3A_34 = arith.constant 256 : i32
    %dma_start3A_35 = arith.constant 0 : i32
    %dma_start3A_36 = tpu.memref_slice %arg6[%dma_start3A_34, %dma_start3A_35] : memref<320x64xf32, #tpu.memory_space<vmem>> -> memref<64x64xf32, #tpu.memory_space<vmem>>
    %dma_start3A_37 = arith.constant 256 : i32
    %dma_start3A_38 = tpu.memref_slice %arg5[%dma_start3A_37] : memref<320xi32, #tpu.memory_space<vmem>> -> memref<64xi32, #tpu.memory_space<vmem>>
    %dma_start3A_39 = arith.constant 0 : i32
    %dma_start3A_40 = arith.constant 0 : i32
    %dma_start3A_41 = tpu.memref_slice %arg2[%dma_start3A_39, %dma_start3A_40] : memref<100000x64xf32, #tpu.memory_space<hbm>> -> memref<100000x64xf32, #tpu.memory_space<hbm>>
    tpu.enqueue_indirect_dma source(%dma_start3A_41 : memref<100000x64xf32, #tpu.memory_space<hbm>>) target(%dma_start3A_36 : memref<64x64xf32, #tpu.memory_space<vmem>>) offsets(%dma_start3A_38 : memref<64xi32, #tpu.memory_space<vmem>>) semaphore(%arg8 : memref<!tpu.dma_semaphore, #tpu.memory_space<semaphore_mem>>)
    %dma_wait3A = arith.constant 0 : i32
    %dma_wait3A_42 = arith.constant 0 : i32
    %dma_wait3A_43 = tpu.memref_slice %arg6[%dma_wait3A, %dma_wait3A_42] : memref<320x64xf32, #tpu.memory_space<vmem>> -> memref<64x64xf32, #tpu.memory_space<vmem>>
    %dma_wait3A_44 = arith.constant 0 : i32
    %dma_wait3A_45 = tpu.memref_slice %arg5[%dma_wait3A_44] : memref<320xi32, #tpu.memory_space<vmem>> -> memref<64xi32, #tpu.memory_space<vmem>>
    %dma_wait3A_46 = arith.constant 0 : i32
    %dma_wait3A_47 = arith.constant 0 : i32
    %dma_wait3A_48 = tpu.memref_slice %arg2[%dma_wait3A_46, %dma_wait3A_47] : memref<100000x64xf32, #tpu.memory_space<hbm>> -> memref<100000x64xf32, #tpu.memory_space<hbm>>
    tpu.wait_indirect_dma semaphore(%arg8 : memref<!tpu.dma_semaphore, #tpu.memory_space<semaphore_mem>>) src(%dma_wait3A_48 : memref<100000x64xf32, #tpu.memory_space<hbm>>) dst(%dma_wait3A_43 : memref<64x64xf32, #tpu.memory_space<vmem>>)
    %dma_wait3A_49 = arith.constant 64 : i32
    %dma_wait3A_50 = arith.constant 0 : i32
    %dma_wait3A_51 = tpu.memref_slice %arg6[%dma_wait3A_49, %dma_wait3A_50] : memref<320x64xf32, #tpu.memory_space<vmem>> -> memref<64x64xf32, #tpu.memory_space<vmem>>
    %dma_wait3A_52 = arith.constant 64 : i32
    %dma_wait3A_53 = tpu.memref_slice %arg5[%dma_wait3A_52] : memref<320xi32, #tpu.memory_space<vmem>> -> memref<64xi32, #tpu.memory_space<vmem>>
    %dma_wait3A_54 = arith.constant 0 : i32
    %dma_wait3A_55 = arith.constant 0 : i32
    %dma_wait3A_56 = tpu.memref_slice %arg2[%dma_wait3A_54, %dma_wait3A_55] : memref<100000x64xf32, #tpu.memory_space<hbm>> -> memref<100000x64xf32, #tpu.memory_space<hbm>>
    tpu.wait_indirect_dma semaphore(%arg8 : memref<!tpu.dma_semaphore, #tpu.memory_space<semaphore_mem>>) src(%dma_wait3A_56 : memref<100000x64xf32, #tpu.memory_space<hbm>>) dst(%dma_wait3A_51 : memref<64x64xf32, #tpu.memory_space<vmem>>)
    %dma_wait3A_57 = arith.constant 128 : i32
    %dma_wait3A_58 = arith.constant 0 : i32
    %dma_wait3A_59 = tpu.memref_slice %arg6[%dma_wait3A_57, %dma_wait3A_58] : memref<320x64xf32, #tpu.memory_space<vmem>> -> memref<64x64xf32, #tpu.memory_space<vmem>>
    %dma_wait3A_60 = arith.constant 128 : i32
    %dma_wait3A_61 = tpu.memref_slice %arg5[%dma_wait3A_60] : memref<320xi32, #tpu.memory_space<vmem>> -> memref<64xi32, #tpu.memory_space<vmem>>
    %dma_wait3A_62 = arith.constant 0 : i32
    %dma_wait3A_63 = arith.constant 0 : i32
    %dma_wait3A_64 = tpu.memref_slice %arg2[%dma_wait3A_62, %dma_wait3A_63] : memref<100000x64xf32, #tpu.memory_space<hbm>> -> memref<100000x64xf32, #tpu.memory_space<hbm>>
    tpu.wait_indirect_dma semaphore(%arg8 : memref<!tpu.dma_semaphore, #tpu.memory_space<semaphore_mem>>) src(%dma_wait3A_64 : memref<100000x64xf32, #tpu.memory_space<hbm>>) dst(%dma_wait3A_59 : memref<64x64xf32, #tpu.memory_space<vmem>>)
    %dma_wait3A_65 = arith.constant 192 : i32
    %dma_wait3A_66 = arith.constant 0 : i32
    %dma_wait3A_67 = tpu.memref_slice %arg6[%dma_wait3A_65, %dma_wait3A_66] : memref<320x64xf32, #tpu.memory_space<vmem>> -> memref<64x64xf32, #tpu.memory_space<vmem>>
    %dma_wait3A_68 = arith.constant 192 : i32
    %dma_wait3A_69 = tpu.memref_slice %arg5[%dma_wait3A_68] : memref<320xi32, #tpu.memory_space<vmem>> -> memref<64xi32, #tpu.memory_space<vmem>>
    %dma_wait3A_70 = arith.constant 0 : i32
    %dma_wait3A_71 = arith.constant 0 : i32
    %dma_wait3A_72 = tpu.memref_slice %arg2[%dma_wait3A_70, %dma_wait3A_71] : memref<100000x64xf32, #tpu.memory_space<hbm>> -> memref<100000x64xf32, #tpu.memory_space<hbm>>
    tpu.wait_indirect_dma semaphore(%arg8 : memref<!tpu.dma_semaphore, #tpu.memory_space<semaphore_mem>>) src(%dma_wait3A_72 : memref<100000x64xf32, #tpu.memory_space<hbm>>) dst(%dma_wait3A_67 : memref<64x64xf32, #tpu.memory_space<vmem>>)
    %dma_wait3A_73 = arith.constant 256 : i32
    %dma_wait3A_74 = arith.constant 0 : i32
    %dma_wait3A_75 = tpu.memref_slice %arg6[%dma_wait3A_73, %dma_wait3A_74] : memref<320x64xf32, #tpu.memory_space<vmem>> -> memref<64x64xf32, #tpu.memory_space<vmem>>
    %dma_wait3A_76 = arith.constant 256 : i32
    %dma_wait3A_77 = tpu.memref_slice %arg5[%dma_wait3A_76] : memref<320xi32, #tpu.memory_space<vmem>> -> memref<64xi32, #tpu.memory_space<vmem>>
    %dma_wait3A_78 = arith.constant 0 : i32
    %dma_wait3A_79 = arith.constant 0 : i32
    %dma_wait3A_80 = tpu.memref_slice %arg2[%dma_wait3A_78, %dma_wait3A_79] : memref<100000x64xf32, #tpu.memory_space<hbm>> -> memref<100000x64xf32, #tpu.memory_space<hbm>>
    tpu.wait_indirect_dma semaphore(%arg8 : memref<!tpu.dma_semaphore, #tpu.memory_space<semaphore_mem>>) src(%dma_wait3A_80 : memref<100000x64xf32, #tpu.memory_space<hbm>>) dst(%dma_wait3A_75 : memref<64x64xf32, #tpu.memory_space<vmem>>)
    %scan3A = arith.constant 0 : i32
    %scan3A_81 = arith.constant 0 : i32
    %scan3A_82 = arith.constant 32 : i32
    %scan3A_83 = arith.addi %scan3A_81, %scan3A_82 : i32
    %scan3A_84 = arith.constant 1 : i32
    scf.for %scan3A_88 = %scan3A_81 to %scan3A_83 step %scan3A_84  : i32 {
      %mul3A_89 = arith.constant 10 : i32
      %mul3A_90 = arith.muli %scan3A_88, %mul3A_89 : i32
      %get3A = arith.index_cast %mul3A_90 : i32 to index
      %get3A_91 = arith.constant 0 : index
      %get3A_92 = tpu.vector_load %arg6[%get3A, %get3A_91] {strides = array<i32>} : memref<320x64xf32, #tpu.memory_space<vmem>>, vector<1x16xf32>,
      %get3A_93 = vector.shape_cast %get3A_92 : vector<1x16xf32> to vector<16xf32>
      %mul3A_94 = arith.constant 10 : i32
      %mul3A_95 = arith.muli %scan3A_88, %mul3A_94 : i32
      %add3A_96 = arith.constant 1 : i32
      %add3A_97 = arith.addi %mul3A_95, %add3A_96 : i32
      %get3A_98 = arith.index_cast %add3A_97 : i32 to index
      %get3A_99 = arith.constant 0 : index
      %get3A_100 = tpu.vector_load %arg6[%get3A_98, %get3A_99] {strides = array<i32>} : memref<320x64xf32, #tpu.memory_space<vmem>>, vector<1x16xf32>,
      %get3A_101 = vector.shape_cast %get3A_100 : vector<1x16xf32> to vector<16xf32>
      %add3A_102 = arith.addf %get3A_93, %get3A_101 : vector<16xf32>
      %mul3A_103 = arith.constant 10 : i32
      %mul3A_104 = arith.muli %scan3A_88, %mul3A_103 : i32
      %add3A_105 = arith.constant 2 : i32
      %add3A_106 = arith.addi %mul3A_104, %add3A_105 : i32
      %get3A_107 = arith.index_cast %add3A_106 : i32 to index
      %get3A_108 = arith.constant 0 : index
      %get3A_109 = tpu.vector_load %arg6[%get3A_107, %get3A_108] {strides = array<i32>} : memref<320x64xf32, #tpu.memory_space<vmem>>, vector<1x16xf32>,
      %get3A_110 = vector.shape_cast %get3A_109 : vector<1x16xf32> to vector<16xf32>
      %add3A_111 = arith.addf %add3A_102, %get3A_110 : vector<16xf32>
      %mul3A_112 = arith.constant 10 : i32
      %mul3A_113 = arith.muli %scan3A_88, %mul3A_112 : i32
      %add3A_114 = arith.constant 3 : i32
      %add3A_115 = arith.addi %mul3A_113, %add3A_114 : i32
      %get3A_116 = arith.index_cast %add3A_115 : i32 to index
      %get3A_117 = arith.constant 0 : index
      %get3A_118 = tpu.vector_load %arg6[%get3A_116, %get3A_117] {strides = array<i32>} : memref<320x64xf32, #tpu.memory_space<vmem>>, vector<1x16xf32>,
      %get3A_119 = vector.shape_cast %get3A_118 : vector<1x16xf32> to vector<16xf32>
      %add3A_120 = arith.addf %add3A_111, %get3A_119 : vector<16xf32>
      %mul3A_121 = arith.constant 10 : i32
      %mul3A_122 = arith.muli %scan3A_88, %mul3A_121 : i32
      %add3A_123 = arith.constant 4 : i32
      %add3A_124 = arith.addi %mul3A_122, %add3A_123 : i32
      %get3A_125 = arith.index_cast %add3A_124 : i32 to index
      %get3A_126 = arith.constant 0 : index
      %get3A_127 = tpu.vector_load %arg6[%get3A_125, %get3A_126] {strides = array<i32>} : memref<320x64xf32, #tpu.memory_space<vmem>>, vector<1x16xf32>,
      %get3A_128 = vector.shape_cast %get3A_127 : vector<1x16xf32> to vector<16xf32>
      %add3A_129 = arith.addf %add3A_120, %get3A_128 : vector<16xf32>
      %mul3A_130 = arith.constant 10 : i32
      %mul3A_131 = arith.muli %scan3A_88, %mul3A_130 : i32
      %add3A_132 = arith.constant 5 : i32
      %add3A_133 = arith.addi %mul3A_131, %add3A_132 : i32
      %get3A_134 = arith.index_cast %add3A_133 : i32 to index
      %get3A_135 = arith.constant 0 : index
      %get3A_136 = tpu.vector_load %arg6[%get3A_134, %get3A_135] {strides = array<i32>} : memref<320x64xf32, #tpu.memory_space<vmem>>, vector<1x16xf32>,
      %get3A_137 = vector.shape_cast %get3A_136 : vector<1x16xf32> to vector<16xf32>
      %add3A_138 = arith.addf %add3A_129, %get3A_137 : vector<16xf32>
      %mul3A_139 = arith.constant 10 : i32
      %mul3A_140 = arith.muli %scan3A_88, %mul3A_139 : i32
      %add3A_141 = arith.constant 6 : i32
      %add3A_142 = arith.addi %mul3A_140, %add3A_141 : i32
      %get3A_143 = arith.index_cast %add3A_142 : i32 to index
      %get3A_144 = arith.constant 0 : index
      %get3A_145 = tpu.vector_load %arg6[%get3A_143, %get3A_144] {strides = array<i32>} : memref<320x64xf32, #tpu.memory_space<vmem>>, vector<1x16xf32>,
      %get3A_146 = vector.shape_cast %get3A_145 : vector<1x16xf32> to vector<16xf32>
      %add3A_147 = arith.addf %add3A_138, %get3A_146 : vector<16xf32>
      %mul3A_148 = arith.constant 10 : i32
      %mul3A_149 = arith.muli %scan3A_88, %mul3A_148 : i32
      %add3A_150 = arith.constant 7 : i32
      %add3A_151 = arith.addi %mul3A_149, %add3A_150 : i32
      %get3A_152 = arith.index_cast %add3A_151 : i32 to index
      %get3A_153 = arith.constant 0 : index
      %get3A_154 = tpu.vector_load %arg6[%get3A_152, %get3A_153] {strides = array<i32>} : memref<320x64xf32, #tpu.memory_space<vmem>>, vector<1x16xf32>,
      %get3A_155 = vector.shape_cast %get3A_154 : vector<1x16xf32> to vector<16xf32>
      %add3A_156 = arith.addf %add3A_147, %get3A_155 : vector<16xf32>
      %mul3A_157 = arith.constant 10 : i32
      %mul3A_158 = arith.muli %scan3A_88, %mul3A_157 : i32
      %add3A_159 = arith.constant 8 : i32
      %add3A_160 = arith.addi %mul3A_158, %add3A_159 : i32
      %get3A_161 = arith.index_cast %add3A_160 : i32 to index
      %get3A_162 = arith.constant 0 : index
      %get3A_163 = tpu.vector_load %arg6[%get3A_161, %get3A_162] {strides = array<i32>} : memref<320x64xf32, #tpu.memory_space<vmem>>, vector<1x16xf32>,
      %get3A_164 = vector.shape_cast %get3A_163 : vector<1x16xf32> to vector<16xf32>
      %add3A_165 = arith.addf %add3A_156, %get3A_164 : vector<16xf32>
      %mul3A_166 = arith.constant 10 : i32
      %mul3A_167 = arith.muli %scan3A_88, %mul3A_166 : i32
      %add3A_168 = arith.constant 9 : i32
      %add3A_169 = arith.addi %mul3A_167, %add3A_168 : i32
      %get3A_170 = arith.index_cast %add3A_169 : i32 to index
      %get3A_171 = arith.constant 0 : index
      %get3A_172 = tpu.vector_load %arg6[%get3A_170, %get3A_171] {strides = array<i32>} : memref<320x64xf32, #tpu.memory_space<vmem>>, vector<1x16xf32>,
      %get3A_173 = vector.shape_cast %get3A_172 : vector<1x16xf32> to vector<16xf32>
      %add3A_174 = arith.addf %add3A_165, %get3A_173 : vector<16xf32>
      %mul3A_175 = arith.constant 1.000000e-01 : f32
      %mul3A_176 = vector.broadcast %mul3A_175 : f32 to vector<16xf32>
      %mul3A_177 = arith.mulf %add3A_174, %mul3A_176 : vector<16xf32>
      %swap3A = arith.index_cast %scan3A_88 : i32 to index
      %swap3A_178 = arith.constant 0 : index
      %swap3A_179 = tpu.vector_load %arg7[%swap3A, %swap3A_178] {strides = array<i32>} : memref<32x64xf32, #tpu.memory_space<vmem>>, vector<1x16xf32>,
      %swap3A_180 = vector.shape_cast %swap3A_179 : vector<1x16xf32> to vector<16xf32>
      %swap3A_181 = vector.shape_cast %mul3A_177 : vector<16xf32> to vector<1x16xf32>
      tpu.vector_store %arg7[%swap3A, %swap3A_178], %swap3A_181 {strides = array<i32>} : memref<32x64xf32, #tpu.memory_space<vmem>>, vector<1x16xf32>,
      %mul3A_182 = arith.constant 10 : i32
      %mul3A_183 = arith.muli %scan3A_88, %mul3A_182 : i32
      %get3A_184 = arith.index_cast %mul3A_183 : i32 to index
      %get3A_185 = arith.constant 16 : index
      %get3A_186 = tpu.vector_load %arg6[%get3A_184, %get3A_185] {strides = array<i32>} : memref<320x64xf32, #tpu.memory_space<vmem>>, vector<1x16xf32>,
      %get3A_187 = vector.shape_cast %get3A_186 : vector<1x16xf32> to vector<16xf32>
      %mul3A_188 = arith.constant 10 : i32
      %mul3A_189 = arith.muli %scan3A_88, %mul3A_188 : i32
      %add3A_190 = arith.constant 1 : i32
      %add3A_191 = arith.addi %mul3A_189, %add3A_190 : i32
      %get3A_192 = arith.index_cast %add3A_191 : i32 to index
      %get3A_193 = arith.constant 16 : index
      %get3A_194 = tpu.vector_load %arg6[%get3A_192, %get3A_193] {strides = array<i32>} : memref<320x64xf32, #tpu.memory_space<vmem>>, vector<1x16xf32>,
      %get3A_195 = vector.shape_cast %get3A_194 : vector<1x16xf32> to vector<16xf32>
      %add3A_196 = arith.addf %get3A_187, %get3A_195 : vector<16xf32>
      %mul3A_197 = arith.constant 10 : i32
      %mul3A_198 = arith.muli %scan3A_88, %mul3A_197 : i32
      %add3A_199 = arith.constant 2 : i32
      %add3A_200 = arith.addi %mul3A_198, %add3A_199 : i32
      %get3A_201 = arith.index_cast %add3A_200 : i32 to index
      %get3A_202 = arith.constant 16 : index
      %get3A_203 = tpu.vector_load %arg6[%get3A_201, %get3A_202] {strides = array<i32>} : memref<320x64xf32, #tpu.memory_space<vmem>>, vector<1x16xf32>,
      %get3A_204 = vector.shape_cast %get3A_203 : vector<1x16xf32> to vector<16xf32>
      %add3A_205 = arith.addf %add3A_196, %get3A_204 : vector<16xf32>
      %mul3A_206 = arith.constant 10 : i32
      %mul3A_207 = arith.muli %scan3A_88, %mul3A_206 : i32
      %add3A_208 = arith.constant 3 : i32
      %add3A_209 = arith.addi %mul3A_207, %add3A_208 : i32
      %get3A_210 = arith.index_cast %add3A_209 : i32 to index
      %get3A_211 = arith.constant 16 : index
      %get3A_212 = tpu.vector_load %arg6[%get3A_210, %get3A_211] {strides = array<i32>} : memref<320x64xf32, #tpu.memory_space<vmem>>, vector<1x16xf32>,
      %get3A_213 = vector.shape_cast %get3A_212 : vector<1x16xf32> to vector<16xf32>
      %add3A_214 = arith.addf %add3A_205, %get3A_213 : vector<16xf32>
      %mul3A_215 = arith.constant 10 : i32
      %mul3A_216 = arith.muli %scan3A_88, %mul3A_215 : i32
      %add3A_217 = arith.constant 4 : i32
      %add3A_218 = arith.addi %mul3A_216, %add3A_217 : i32
      %get3A_219 = arith.index_cast %add3A_218 : i32 to index
      %get3A_220 = arith.constant 16 : index
      %get3A_221 = tpu.vector_load %arg6[%get3A_219, %get3A_220] {strides = array<i32>} : memref<320x64xf32, #tpu.memory_space<vmem>>, vector<1x16xf32>,
      %get3A_222 = vector.shape_cast %get3A_221 : vector<1x16xf32> to vector<16xf32>
      %add3A_223 = arith.addf %add3A_214, %get3A_222 : vector<16xf32>
      %mul3A_224 = arith.constant 10 : i32
      %mul3A_225 = arith.muli %scan3A_88, %mul3A_224 : i32
      %add3A_226 = arith.constant 5 : i32
      %add3A_227 = arith.addi %mul3A_225, %add3A_226 : i32
      %get3A_228 = arith.index_cast %add3A_227 : i32 to index
      %get3A_229 = arith.constant 16 : index
      %get3A_230 = tpu.vector_load %arg6[%get3A_228, %get3A_229] {strides = array<i32>} : memref<320x64xf32, #tpu.memory_space<vmem>>, vector<1x16xf32>,
      %get3A_231 = vector.shape_cast %get3A_230 : vector<1x16xf32> to vector<16xf32>
      %add3A_232 = arith.addf %add3A_223, %get3A_231 : vector<16xf32>
      %mul3A_233 = arith.constant 10 : i32
      %mul3A_234 = arith.muli %scan3A_88, %mul3A_233 : i32
      %add3A_235 = arith.constant 6 : i32
      %add3A_236 = arith.addi %mul3A_234, %add3A_235 : i32
      %get3A_237 = arith.index_cast %add3A_236 : i32 to index
      %get3A_238 = arith.constant 16 : index
      %get3A_239 = tpu.vector_load %arg6[%get3A_237, %get3A_238] {strides = array<i32>} : memref<320x64xf32, #tpu.memory_space<vmem>>, vector<1x16xf32>,
      %get3A_240 = vector.shape_cast %get3A_239 : vector<1x16xf32> to vector<16xf32>
      %add3A_241 = arith.addf %add3A_232, %get3A_240 : vector<16xf32>
      %mul3A_242 = arith.constant 10 : i32
      %mul3A_243 = arith.muli %scan3A_88, %mul3A_242 : i32
      %add3A_244 = arith.constant 7 : i32
      %add3A_245 = arith.addi %mul3A_243, %add3A_244 : i32
      %get3A_246 = arith.index_cast %add3A_245 : i32 to index
      %get3A_247 = arith.constant 16 : index
      %get3A_248 = tpu.vector_load %arg6[%get3A_246, %get3A_247] {strides = array<i32>} : memref<320x64xf32, #tpu.memory_space<vmem>>, vector<1x16xf32>,
      %get3A_249 = vector.shape_cast %get3A_248 : vector<1x16xf32> to vector<16xf32>
      %add3A_250 = arith.addf %add3A_241, %get3A_249 : vector<16xf32>
      %mul3A_251 = arith.constant 10 : i32
      %mul3A_252 = arith.muli %scan3A_88, %mul3A_251 : i32
      %add3A_253 = arith.constant 8 : i32
      %add3A_254 = arith.addi %mul3A_252, %add3A_253 : i32
      %get3A_255 = arith.index_cast %add3A_254 : i32 to index
      %get3A_256 = arith.constant 16 : index
      %get3A_257 = tpu.vector_load %arg6[%get3A_255, %get3A_256] {strides = array<i32>} : memref<320x64xf32, #tpu.memory_space<vmem>>, vector<1x16xf32>,
      %get3A_258 = vector.shape_cast %get3A_257 : vector<1x16xf32> to vector<16xf32>
      %add3A_259 = arith.addf %add3A_250, %get3A_258 : vector<16xf32>
      %mul3A_260 = arith.constant 10 : i32
      %mul3A_261 = arith.muli %scan3A_88, %mul3A_260 : i32
      %add3A_262 = arith.constant 9 : i32
      %add3A_263 = arith.addi %mul3A_261, %add3A_262 : i32
      %get3A_264 = arith.index_cast %add3A_263 : i32 to index
      %get3A_265 = arith.constant 16 : index
      %get3A_266 = tpu.vector_load %arg6[%get3A_264, %get3A_265] {strides = array<i32>} : memref<320x64xf32, #tpu.memory_space<vmem>>, vector<1x16xf32>,
      %get3A_267 = vector.shape_cast %get3A_266 : vector<1x16xf32> to vector<16xf32>
      %add3A_268 = arith.addf %add3A_259, %get3A_267 : vector<16xf32>
      %mul3A_269 = arith.constant 1.000000e-01 : f32
      %mul3A_270 = vector.broadcast %mul3A_269 : f32 to vector<16xf32>
      %mul3A_271 = arith.mulf %add3A_268, %mul3A_270 : vector<16xf32>
      %swap3A_272 = arith.index_cast %scan3A_88 : i32 to index
      %swap3A_273 = arith.constant 16 : index
      %swap3A_274 = tpu.vector_load %arg7[%swap3A_272, %swap3A_273] {strides = array<i32>} : memref<32x64xf32, #tpu.memory_space<vmem>>, vector<1x16xf32>,
      %swap3A_275 = vector.shape_cast %swap3A_274 : vector<1x16xf32> to vector<16xf32>
      %swap3A_276 = vector.shape_cast %mul3A_271 : vector<16xf32> to vector<1x16xf32>
      tpu.vector_store %arg7[%swap3A_272, %swap3A_273], %swap3A_276 {strides = array<i32>} : memref<32x64xf32, #tpu.memory_space<vmem>>, vector<1x16xf32>,
      %mul3A_277 = arith.constant 10 : i32
      %mul3A_278 = arith.muli %scan3A_88, %mul3A_277 : i32
      %get3A_279 = arith.index_cast %mul3A_278 : i32 to index
      %get3A_280 = arith.constant 32 : index
      %get3A_281 = tpu.vector_load %arg6[%get3A_279, %get3A_280] {strides = array<i32>} : memref<320x64xf32, #tpu.memory_space<vmem>>, vector<1x16xf32>,
      %get3A_282 = vector.shape_cast %get3A_281 : vector<1x16xf32> to vector<16xf32>
      %mul3A_283 = arith.constant 10 : i32
      %mul3A_284 = arith.muli %scan3A_88, %mul3A_283 : i32
      %add3A_285 = arith.constant 1 : i32
      %add3A_286 = arith.addi %mul3A_284, %add3A_285 : i32
      %get3A_287 = arith.index_cast %add3A_286 : i32 to index
      %get3A_288 = arith.constant 32 : index
      %get3A_289 = tpu.vector_load %arg6[%get3A_287, %get3A_288] {strides = array<i32>} : memref<320x64xf32, #tpu.memory_space<vmem>>, vector<1x16xf32>,
      %get3A_290 = vector.shape_cast %get3A_289 : vector<1x16xf32> to vector<16xf32>
      %add3A_291 = arith.addf %get3A_282, %get3A_290 : vector<16xf32>
      %mul3A_292 = arith.constant 10 : i32
      %mul3A_293 = arith.muli %scan3A_88, %mul3A_292 : i32
      %add3A_294 = arith.constant 2 : i32
      %add3A_295 = arith.addi %mul3A_293, %add3A_294 : i32
      %get3A_296 = arith.index_cast %add3A_295 : i32 to index
      %get3A_297 = arith.constant 32 : index
      %get3A_298 = tpu.vector_load %arg6[%get3A_296, %get3A_297] {strides = array<i32>} : memref<320x64xf32, #tpu.memory_space<vmem>>, vector<1x16xf32>,
      %get3A_299 = vector.shape_cast %get3A_298 : vector<1x16xf32> to vector<16xf32>
      %add3A_300 = arith.addf %add3A_291, %get3A_299 : vector<16xf32>
      %mul3A_301 = arith.constant 10 : i32
      %mul3A_302 = arith.muli %scan3A_88, %mul3A_301 : i32
      %add3A_303 = arith.constant 3 : i32
      %add3A_304 = arith.addi %mul3A_302, %add3A_303 : i32
      %get3A_305 = arith.index_cast %add3A_304 : i32 to index
      %get3A_306 = arith.constant 32 : index
      %get3A_307 = tpu.vector_load %arg6[%get3A_305, %get3A_306] {strides = array<i32>} : memref<320x64xf32, #tpu.memory_space<vmem>>, vector<1x16xf32>,
      %get3A_308 = vector.shape_cast %get3A_307 : vector<1x16xf32> to vector<16xf32>
      %add3A_309 = arith.addf %add3A_300, %get3A_308 : vector<16xf32>
      %mul3A_310 = arith.constant 10 : i32
      %mul3A_311 = arith.muli %scan3A_88, %mul3A_310 : i32
      %add3A_312 = arith.constant 4 : i32
      %add3A_313 = arith.addi %mul3A_311, %add3A_312 : i32
      %get3A_314 = arith.index_cast %add3A_313 : i32 to index
      %get3A_315 = arith.constant 32 : index
      %get3A_316 = tpu.vector_load %arg6[%get3A_314, %get3A_315] {strides = array<i32>} : memref<320x64xf32, #tpu.memory_space<vmem>>, vector<1x16xf32>,
      %get3A_317 = vector.shape_cast %get3A_316 : vector<1x16xf32> to vector<16xf32>
      %add3A_318 = arith.addf %add3A_309, %get3A_317 : vector<16xf32>
      %mul3A_319 = arith.constant 10 : i32
      %mul3A_320 = arith.muli %scan3A_88, %mul3A_319 : i32
      %add3A_321 = arith.constant 5 : i32
      %add3A_322 = arith.addi %mul3A_320, %add3A_321 : i32
      %get3A_323 = arith.index_cast %add3A_322 : i32 to index
      %get3A_324 = arith.constant 32 : index
      %get3A_325 = tpu.vector_load %arg6[%get3A_323, %get3A_324] {strides = array<i32>} : memref<320x64xf32, #tpu.memory_space<vmem>>, vector<1x16xf32>,
      %get3A_326 = vector.shape_cast %get3A_325 : vector<1x16xf32> to vector<16xf32>
      %add3A_327 = arith.addf %add3A_318, %get3A_326 : vector<16xf32>
      %mul3A_328 = arith.constant 10 : i32
      %mul3A_329 = arith.muli %scan3A_88, %mul3A_328 : i32
      %add3A_330 = arith.constant 6 : i32
      %add3A_331 = arith.addi %mul3A_329, %add3A_330 : i32
      %get3A_332 = arith.index_cast %add3A_331 : i32 to index
      %get3A_333 = arith.constant 32 : index
      %get3A_334 = tpu.vector_load %arg6[%get3A_332, %get3A_333] {strides = array<i32>} : memref<320x64xf32, #tpu.memory_space<vmem>>, vector<1x16xf32>,
      %get3A_335 = vector.shape_cast %get3A_334 : vector<1x16xf32> to vector<16xf32>
      %add3A_336 = arith.addf %add3A_327, %get3A_335 : vector<16xf32>
      %mul3A_337 = arith.constant 10 : i32
      %mul3A_338 = arith.muli %scan3A_88, %mul3A_337 : i32
      %add3A_339 = arith.constant 7 : i32
      %add3A_340 = arith.addi %mul3A_338, %add3A_339 : i32
      %get3A_341 = arith.index_cast %add3A_340 : i32 to index
      %get3A_342 = arith.constant 32 : index
      %get3A_343 = tpu.vector_load %arg6[%get3A_341, %get3A_342] {strides = array<i32>} : memref<320x64xf32, #tpu.memory_space<vmem>>, vector<1x16xf32>,
      %get3A_344 = vector.shape_cast %get3A_343 : vector<1x16xf32> to vector<16xf32>
      %add3A_345 = arith.addf %add3A_336, %get3A_344 : vector<16xf32>
      %mul3A_346 = arith.constant 10 : i32
      %mul3A_347 = arith.muli %scan3A_88, %mul3A_346 : i32
      %add3A_348 = arith.constant 8 : i32
      %add3A_349 = arith.addi %mul3A_347, %add3A_348 : i32
      %get3A_350 = arith.index_cast %add3A_349 : i32 to index
      %get3A_351 = arith.constant 32 : index
      %get3A_352 = tpu.vector_load %arg6[%get3A_350, %get3A_351] {strides = array<i32>} : memref<320x64xf32, #tpu.memory_space<vmem>>, vector<1x16xf32>,
      %get3A_353 = vector.shape_cast %get3A_352 : vector<1x16xf32> to vector<16xf32>
      %add3A_354 = arith.addf %add3A_345, %get3A_353 : vector<16xf32>
      %mul3A_355 = arith.constant 10 : i32
      %mul3A_356 = arith.muli %scan3A_88, %mul3A_355 : i32
      %add3A_357 = arith.constant 9 : i32
      %add3A_358 = arith.addi %mul3A_356, %add3A_357 : i32
      %get3A_359 = arith.index_cast %add3A_358 : i32 to index
      %get3A_360 = arith.constant 32 : index
      %get3A_361 = tpu.vector_load %arg6[%get3A_359, %get3A_360] {strides = array<i32>} : memref<320x64xf32, #tpu.memory_space<vmem>>, vector<1x16xf32>,
      %get3A_362 = vector.shape_cast %get3A_361 : vector<1x16xf32> to vector<16xf32>
      %add3A_363 = arith.addf %add3A_354, %get3A_362 : vector<16xf32>
      %mul3A_364 = arith.constant 1.000000e-01 : f32
      %mul3A_365 = vector.broadcast %mul3A_364 : f32 to vector<16xf32>
      %mul3A_366 = arith.mulf %add3A_363, %mul3A_365 : vector<16xf32>
      %swap3A_367 = arith.index_cast %scan3A_88 : i32 to index
      %swap3A_368 = arith.constant 32 : index
      %swap3A_369 = tpu.vector_load %arg7[%swap3A_367, %swap3A_368] {strides = array<i32>} : memref<32x64xf32, #tpu.memory_space<vmem>>, vector<1x16xf32>,
      %swap3A_370 = vector.shape_cast %swap3A_369 : vector<1x16xf32> to vector<16xf32>
      %swap3A_371 = vector.shape_cast %mul3A_366 : vector<16xf32> to vector<1x16xf32>
      tpu.vector_store %arg7[%swap3A_367, %swap3A_368], %swap3A_371 {strides = array<i32>} : memref<32x64xf32, #tpu.memory_space<vmem>>, vector<1x16xf32>,
      %mul3A_372 = arith.constant 10 : i32
      %mul3A_373 = arith.muli %scan3A_88, %mul3A_372 : i32
      %get3A_374 = arith.index_cast %mul3A_373 : i32 to index
      %get3A_375 = arith.constant 48 : index
      %get3A_376 = tpu.vector_load %arg6[%get3A_374, %get3A_375] {strides = array<i32>} : memref<320x64xf32, #tpu.memory_space<vmem>>, vector<1x16xf32>,
      %get3A_377 = vector.shape_cast %get3A_376 : vector<1x16xf32> to vector<16xf32>
      %mul3A_378 = arith.constant 10 : i32
      %mul3A_379 = arith.muli %scan3A_88, %mul3A_378 : i32
      %add3A_380 = arith.constant 1 : i32
      %add3A_381 = arith.addi %mul3A_379, %add3A_380 : i32
      %get3A_382 = arith.index_cast %add3A_381 : i32 to index
      %get3A_383 = arith.constant 48 : index
      %get3A_384 = tpu.vector_load %arg6[%get3A_382, %get3A_383] {strides = array<i32>} : memref<320x64xf32, #tpu.memory_space<vmem>>, vector<1x16xf32>,
      %get3A_385 = vector.shape_cast %get3A_384 : vector<1x16xf32> to vector<16xf32>
      %add3A_386 = arith.addf %get3A_377, %get3A_385 : vector<16xf32>
      %mul3A_387 = arith.constant 10 : i32
      %mul3A_388 = arith.muli %scan3A_88, %mul3A_387 : i32
      %add3A_389 = arith.constant 2 : i32
      %add3A_390 = arith.addi %mul3A_388, %add3A_389 : i32
      %get3A_391 = arith.index_cast %add3A_390 : i32 to index
      %get3A_392 = arith.constant 48 : index
      %get3A_393 = tpu.vector_load %arg6[%get3A_391, %get3A_392] {strides = array<i32>} : memref<320x64xf32, #tpu.memory_space<vmem>>, vector<1x16xf32>,
      %get3A_394 = vector.shape_cast %get3A_393 : vector<1x16xf32> to vector<16xf32>
      %add3A_395 = arith.addf %add3A_386, %get3A_394 : vector<16xf32>
      %mul3A_396 = arith.constant 10 : i32
      %mul3A_397 = arith.muli %scan3A_88, %mul3A_396 : i32
      %add3A_398 = arith.constant 3 : i32
      %add3A_399 = arith.addi %mul3A_397, %add3A_398 : i32
      %get3A_400 = arith.index_cast %add3A_399 : i32 to index
      %get3A_401 = arith.constant 48 : index
      %get3A_402 = tpu.vector_load %arg6[%get3A_400, %get3A_401] {strides = array<i32>} : memref<320x64xf32, #tpu.memory_space<vmem>>, vector<1x16xf32>,
      %get3A_403 = vector.shape_cast %get3A_402 : vector<1x16xf32> to vector<16xf32>
      %add3A_404 = arith.addf %add3A_395, %get3A_403 : vector<16xf32>
      %mul3A_405 = arith.constant 10 : i32
      %mul3A_406 = arith.muli %scan3A_88, %mul3A_405 : i32
      %add3A_407 = arith.constant 4 : i32
      %add3A_408 = arith.addi %mul3A_406, %add3A_407 : i32
      %get3A_409 = arith.index_cast %add3A_408 : i32 to index
      %get3A_410 = arith.constant 48 : index
      %get3A_411 = tpu.vector_load %arg6[%get3A_409, %get3A_410] {strides = array<i32>} : memref<320x64xf32, #tpu.memory_space<vmem>>, vector<1x16xf32>,
      %get3A_412 = vector.shape_cast %get3A_411 : vector<1x16xf32> to vector<16xf32>
      %add3A_413 = arith.addf %add3A_404, %get3A_412 : vector<16xf32>
      %mul3A_414 = arith.constant 10 : i32
      %mul3A_415 = arith.muli %scan3A_88, %mul3A_414 : i32
      %add3A_416 = arith.constant 5 : i32
      %add3A_417 = arith.addi %mul3A_415, %add3A_416 : i32
      %get3A_418 = arith.index_cast %add3A_417 : i32 to index
      %get3A_419 = arith.constant 48 : index
      %get3A_420 = tpu.vector_load %arg6[%get3A_418, %get3A_419] {strides = array<i32>} : memref<320x64xf32, #tpu.memory_space<vmem>>, vector<1x16xf32>,
      %get3A_421 = vector.shape_cast %get3A_420 : vector<1x16xf32> to vector<16xf32>
      %add3A_422 = arith.addf %add3A_413, %get3A_421 : vector<16xf32>
      %mul3A_423 = arith.constant 10 : i32
      %mul3A_424 = arith.muli %scan3A_88, %mul3A_423 : i32
      %add3A_425 = arith.constant 6 : i32
      %add3A_426 = arith.addi %mul3A_424, %add3A_425 : i32
      %get3A_427 = arith.index_cast %add3A_426 : i32 to index
      %get3A_428 = arith.constant 48 : index
      %get3A_429 = tpu.vector_load %arg6[%get3A_427, %get3A_428] {strides = array<i32>} : memref<320x64xf32, #tpu.memory_space<vmem>>, vector<1x16xf32>,
      %get3A_430 = vector.shape_cast %get3A_429 : vector<1x16xf32> to vector<16xf32>
      %add3A_431 = arith.addf %add3A_422, %get3A_430 : vector<16xf32>
      %mul3A_432 = arith.constant 10 : i32
      %mul3A_433 = arith.muli %scan3A_88, %mul3A_432 : i32
      %add3A_434 = arith.constant 7 : i32
      %add3A_435 = arith.addi %mul3A_433, %add3A_434 : i32
      %get3A_436 = arith.index_cast %add3A_435 : i32 to index
      %get3A_437 = arith.constant 48 : index
      %get3A_438 = tpu.vector_load %arg6[%get3A_436, %get3A_437] {strides = array<i32>} : memref<320x64xf32, #tpu.memory_space<vmem>>, vector<1x16xf32>,
      %get3A_439 = vector.shape_cast %get3A_438 : vector<1x16xf32> to vector<16xf32>
      %add3A_440 = arith.addf %add3A_431, %get3A_439 : vector<16xf32>
      %mul3A_441 = arith.constant 10 : i32
      %mul3A_442 = arith.muli %scan3A_88, %mul3A_441 : i32
      %add3A_443 = arith.constant 8 : i32
      %add3A_444 = arith.addi %mul3A_442, %add3A_443 : i32
      %get3A_445 = arith.index_cast %add3A_444 : i32 to index
      %get3A_446 = arith.constant 48 : index
      %get3A_447 = tpu.vector_load %arg6[%get3A_445, %get3A_446] {strides = array<i32>} : memref<320x64xf32, #tpu.memory_space<vmem>>, vector<1x16xf32>,
      %get3A_448 = vector.shape_cast %get3A_447 : vector<1x16xf32> to vector<16xf32>
      %add3A_449 = arith.addf %add3A_440, %get3A_448 : vector<16xf32>
      %mul3A_450 = arith.constant 10 : i32
      %mul3A_451 = arith.muli %scan3A_88, %mul3A_450 : i32
      %add3A_452 = arith.constant 9 : i32
      %add3A_453 = arith.addi %mul3A_451, %add3A_452 : i32
      %get3A_454 = arith.index_cast %add3A_453 : i32 to index
      %get3A_455 = arith.constant 48 : index
      %get3A_456 = tpu.vector_load %arg6[%get3A_454, %get3A_455] {strides = array<i32>} : memref<320x64xf32, #tpu.memory_space<vmem>>, vector<1x16xf32>,
      %get3A_457 = vector.shape_cast %get3A_456 : vector<1x16xf32> to vector<16xf32>
      %add3A_458 = arith.addf %add3A_449, %get3A_457 : vector<16xf32>
      %mul3A_459 = arith.constant 1.000000e-01 : f32
      %mul3A_460 = vector.broadcast %mul3A_459 : f32 to vector<16xf32>
      %mul3A_461 = arith.mulf %add3A_458, %mul3A_460 : vector<16xf32>
      %swap3A_462 = arith.index_cast %scan3A_88 : i32 to index
      %swap3A_463 = arith.constant 48 : index
      %swap3A_464 = tpu.vector_load %arg7[%swap3A_462, %swap3A_463] {strides = array<i32>} : memref<32x64xf32, #tpu.memory_space<vmem>>, vector<1x16xf32>,
      %swap3A_465 = vector.shape_cast %swap3A_464 : vector<1x16xf32> to vector<16xf32>
      %swap3A_466 = vector.shape_cast %mul3A_461 : vector<16xf32> to vector<1x16xf32>
      tpu.vector_store %arg7[%swap3A_462, %swap3A_463], %swap3A_466 {strides = array<i32>} : memref<32x64xf32, #tpu.memory_space<vmem>>, vector<1x16xf32>,
    }
    %scan3A_85 = arith.constant 32 : i32
    %mul3A_86 = arith.constant 32 : i32
    %mul3A_87 = arith.muli %add3A, %mul3A_86 : i32
    "tpu.region"() ({
      %run_scoped3A = tpu.sem_alloc : memref<!tpu.dma_semaphore, #tpu.memory_space<semaphore_mem>>
      %dma_start3A_88 = arith.constant 0 : i32
      %dma_start3A_89 = tpu.memref_slice %arg4[%mul3A_87, %dma_start3A_88] : memref<1024x64xf32, #tpu.memory_space<hbm>> -> memref<32x64xf32, #tpu.memory_space<hbm>>
      %dma_start3A_90 = arith.constant 0 : i32
      %dma_start3A_91 = tpu.memref_slice %arg4[%mul3A_87, %dma_start3A_90] : memref<1024x64xf32, #tpu.memory_space<hbm>> -> memref<32x64xf32, #tpu.memory_space<hbm>>
      tpu.enqueue_dma source(%arg7 : memref<32x64xf32, #tpu.memory_space<vmem>>) target(%dma_start3A_91 : memref<32x64xf32, #tpu.memory_space<hbm>>) target_semaphore(%run_scoped3A : memref<!tpu.dma_semaphore, #tpu.memory_space<semaphore_mem>>)
      %dma_wait3A_92 = arith.constant 0 : i32
      %dma_wait3A_93 = tpu.memref_slice %arg4[%mul3A_87, %dma_wait3A_92] : memref<1024x64xf32, #tpu.memory_space<hbm>> -> memref<32x64xf32, #tpu.memory_space<hbm>>
      %dma_wait3A_94 = arith.constant 0 : i32
      %dma_wait3A_95 = tpu.memref_slice %arg4[%mul3A_87, %dma_wait3A_94] : memref<1024x64xf32, #tpu.memory_space<hbm>> -> memref<32x64xf32, #tpu.memory_space<hbm>>
      tpu.wait_dma2 semaphore(%run_scoped3A : memref<!tpu.dma_semaphore, #tpu.memory_space<semaphore_mem>>) src(%arg7 : memref<32x64xf32, #tpu.memory_space<vmem>>) dst(%dma_wait3A_95 : memref<32x64xf32, #tpu.memory_space<hbm>>)
      tpu.yield
    }) : () -> ()
    return
  }
}

</mosaic_0001>

<sc_bundles>
// kernel: _sc_gather_mean.3.cloned.1.call-start
scs
__scs_entry_jumppad:
0x0: {  	(pc) =	sbr.rel $0x88, $3  }
0x1: {  	(tag) =	ssettag $0x0;
	lr =	simm.s32 $0x1  }
0x2: {  	[smem:$0x3F9F] =	sst lr;
	_ =	strace $0xD0000000  }
0x3: {  	_ = 	snop  }
0x4: {  	_ = 	snop  }
0x5: {  	_ = 	snop  }
0x6: {  	_ = 	snop  }
0x7: {  	_ = 	snop  }
__scs_overlays_trampoline_lowered:
0x8: {  	[smem:$0x3FAE] =	sst s0  }
0x9: {  	[smem:$0x3FAF] =	sst s1  }
0xa: {  	[smem:$0x3FB0] =	sst s2  }
0xb: {  	[smem:$0x3FB1] =	sst s3  }
0xc: {  	[smem:$0x3FB2] =	sst s4  }
0xd: {  	[smem:$0x3FB3] =	sst s5  }
0xe: {  	[smem:$0x3FB4] =	sst s6  }
0xf: {  	[smem:$0x3FB5] =	sst s7  }
0x10: {  	[smem:$0x3FB6] =	sst s8  }
0x11: {  	[smem:$0x3FB7] =	sst s9;
	s0 =	simm.s32 @!p0 $0x0  }
0x12: {  	s1 =	sld [smem:$0x3F9D];
	s0 =	simm.s32 @p0 $0x1  }
0x13: {  	[smem:$0x3FB8] =	sst s0;
	s0 =	simm.s32 @!p1 $0x0  }
0x14: {  	s2 =	sld [smem:$0x3F9C];
	s0 =	simm.s32 @p1 $0x1  }
0x15: {  	[smem:$0x3FB9] =	sst s0;
	s0 =	simm.s32 @!p2 $0x0  }
0x16: {  	s3 =	sld [smem:$0x3FDB];
	s0 =	simm.s32 @p2 $0x1  }
0x17: {  	s4 =	simm.s32 $0x1BF5;
	[smem:$0x3FBB] =	sst s0  }
0x18: {  	s0 =	sld [smem:$0x3F9E];
	_ =	swait.ge [sflag:s4], $0x0  }
0x19: {  	s7 =	sld [smem:$0x3F9F]  }
0x1a: {  	s8 =	sadd.s32 $0xFFFFE003, lr  }
0x1b: {  	s9 =	sadd.s32 $0xFFFFFEF7, lr;
	s5 =	simm.s32 $0xFFFFFFFF;
	p2 =	slt.u32 s8, $0xFFFFF086  }
0x1c: {  	p1 =	slt.u32 s9, $0xF7A;
	s5 =	simm.s32 @!p2 $0x0  }
0x1d: {  	s5 =	simm.s32 @p1 $0x1;
	p0 =	seq.s32 s7, s2  }
0x1e: {  	s7 =	smul.u32 @!p0 $0xF7A, s2;
	p2 =	seq.s32 @!p0 s5, $0x0  }
0x1f: {  	s9 =	smul.u32 $0xF7A, s1;
	s8 =	simm.s32 @!p0 $0x1BF5;
	p2 =	por !p2, p0  }
0x20: {  	[sflag:s8] =	ssyncset.s32 @!p0 $0xFFFFF086;
	s6 =	sadd.s32 @!p0 s3, s7;
	s7 =	simm.s32 @!p0 $0x108  }
0x21: {  	s3 =	sadd.s32 s3, s9;
	s6 =	sadd.s32 @!p0 $0x88, s6;
	s7 =	simm.s32 @p2 $0x1082  }
0x22: {  	[simem:s7], [sflag:s8] =	dma.local @!p0 [hbm:s6], $0xF7A  }
0x23: {  	s9 =	sor.u32 $0xD0000000, s2;
	s6 =	simm.s32 $0x108;
	_ =	swait.ge @!p0 [sflag:s8], $0x0  }
0x24: {  	s3 =	sadd.s32 $0x88, s3;
	s6 =	simm.s32 @!p1 $0x1082;
	[sflag:s4] =	ssyncset.s32 $0xFFFFF086  }
0x25: {  	[simem:s6], [sflag:s4] =	dma.local [hbm:s3], $0xF7A  }
0x26: {  	[smem:$0x3F9F] =	sst s1;
	(tag) =	ssettag s2;
	_ =	strace s9  }
0x27: {  	s1 =	sld [smem:$0x3FAF]  }
0x28: {  	s2 =	sld [smem:$0x3FB0]  }
0x29: {  	s4 =	sld [smem:$0x3FB2]  }
0x2a: {  	p0 =	seq.s32 s5, $0x0;
	s5 =	sld [smem:$0x3FB3]  }
0x2b: {  	s6 =	sld [smem:$0x3FB4]  }
0x2c: {  	s7 =	sld [smem:$0x3FB5]  }
0x2d: {  	s3 =	simm.s32 $0x108;
	s8 =	sld [smem:$0x3FB6]  }
0x2e: {  	s3 =	simm.s32 @!p0 $0x1082;
	s9 =	sld [smem:$0x3FB7]  }
0x2f: {  	lr =	sadd.s32 s0, s3;
	s0 =	sld [smem:$0x3FAE]  }
0x30: {  	s3 =	sld [smem:$0x3FB1]  }
0x31: {  	[smem:$0x3FBA] =	sst s10  }
0x32: {  	s10 =	sld [smem:$0x3FB8];
	_ =	sdelay $0x3  }
0x33: {  	p0 =	seq.s32 s10, $0x1;
	s10 =	sld [smem:$0x3FBA];
	_ =	sdelay $0x3  }
0x34: {  	[smem:$0x3FBA] =	sst s10  }
0x35: {  	s10 =	sld [smem:$0x3FB9];
	_ =	sdelay $0x3  }
0x36: {  	p1 =	seq.s32 s10, $0x1;
	s10 =	sld [smem:$0x3FBA];
	_ =	sdelay $0x3  }
0x37: {  	[smem:$0x3FBA] =	sst s10  }
0x38: {  	s10 =	sld [smem:$0x3FBB]  }
0x39: {  	_ = 	snop;
	(pc) =	sbr.ind lr, $3  }
0x3a: {  	_ = 	snop  }
0x3b: {  	_ = 	snop  }
0x3c: {  	p2 =	seq.s32 s10, $0x1;
	s10 =	sld [smem:$0x3FBA]  }
0x3d: {  	_ =	shalt  }
0x3e: {  	_ =	shalt  }
0x3f: {  	_ =	shalt  }
0x40: {  	_ =	shalt  }
0x41: {  	_ =	shalt  }
0x42: {  	_ =	shalt  }
0x43: {  	_ =	shalt  }
0x44: {  	_ =	shalt  }
0x45: {  	_ =	shalt  }
0x46: {  	_ =	shalt  }
0x47: {  	_ =	shalt  }
0x48: {  	_ =	shalt  }
0x49: {  	_ =	shalt  }
0x4a: {  	_ =	shalt  }
0x4b: {  	_ =	shalt  }
0x4c: {  	_ =	shalt  }
0x4d: {  	_ =	shalt  }
0x4e: {  	_ =	shalt  }
0x4f: {  	_ =	shalt  }
0x50: {  	_ =	shalt  }
0x51: {  	_ =	shalt  }
0x52: {  	_ =	shalt  }
0x53: {  	_ =	shalt  }
0x54: {  	_ =	shalt  }
0x55: {  	_ =	shalt  }
0x56: {  	_ =	shalt  }
0x57: {  	_ =	shalt  }
0x58: {  	_ =	shalt  }
0x59: {  	_ =	shalt  }
0x5a: {  	_ =	shalt  }
0x5b: {  	_ =	shalt  }
0x5c: {  	_ =	shalt  }
0x5d: {  	_ =	shalt  }
0x5e: {  	_ =	shalt  }
0x5f: {  	_ =	shalt  }
0x60: {  	_ =	shalt  }
0x61: {  	_ =	shalt  }
0x62: {  	_ =	shalt  }
0x63: {  	_ =	shalt  }
0x64: {  	_ =	shalt  }
0x65: {  	_ =	shalt  }
0x66: {  	_ =	shalt  }
0x67: {  	_ =	shalt  }
0x68: {  	_ =	shalt  }
0x69: {  	_ =	shalt  }
0x6a: {  	_ =	shalt  }
0x6b: {  	_ =	shalt  }
0x6c: {  	_ =	shalt  }
0x6d: {  	_ =	shalt  }
0x6e: {  	_ =	shalt  }
0x6f: {  	_ =	shalt  }
0x70: {  	_ =	shalt  }
0x71: {  	_ =	shalt  }
0x72: {  	_ =	shalt  }
0x73: {  	_ =	shalt  }
0x74: {  	_ =	shalt  }
0x75: {  	_ =	shalt  }
0x76: {  	_ =	shalt  }
0x77: {  	_ =	shalt  }
0x78: {  	_ =	shalt  }
0x79: {  	_ =	shalt  }
0x7a: {  	_ =	shalt  }
0x7b: {  	_ =	shalt  }
0x7c: {  	_ =	shalt  }
0x7d: {  	_ =	shalt  }
0x7e: {  	_ =	shalt  }
0x7f: {  	_ =	shalt  }
0x80: {  	_ =	shalt  }
0x81: {  	_ =	shalt  }
0x82: {  	_ =	shalt  }
0x83: {  	_ =	shalt  }
0x84: {  	_ =	shalt  }
0x85: {  	_ =	shalt  }
0x86: {  	_ =	shalt  }
0x87: {  	_ =	shalt  }
.Lfunc_end0:
.L_simem_size_0:
called_computation_lowered:
.L_overlay_start_0:
0x88: {  	s2 =	sld [smem:$0x3FD9]  }
0x89: {  	s3 =	sld [smem:$0x3FFE];
	_ =	sdelay $0x1  }
0x8a: {  	s1 =	srdreg.scid  }
0x8b: {  	s0 =	sand.u32 $0x1, s1  }
0x8c: {  	s17 =	sshll.u32 s0, $0xA;
	s2 =	sadd.s32 s3, s2  }
0x8d: {  	s2 =	sadd.s32 s2, s17  }
0x8e: {  	[smem:$0x3FC6] =	sst s2  }
0x8f: {  	_ = 	snop  }
0x90: {  	s2 =	sld [smem:$0x3FC8]  }
0x91: {  	s18 =	sld [smem:$0x3FD0];
	(tm) =	ssettm $0x1  }
0x92: {  	s4 =	sld [smem:$0x3FFB];
	_ =	sdelay $0x3  }
0x93: {  	_ =	strace s4  }
0x94: {  	s4 =	sld [smem:$0x3FFC];
	_ =	sdelay $0x3  }
0x95: {  	_ =	strace s4  }
0x96: {  	s4 =	sld [smem:$0x3FFD];
	_ =	sdelay $0x3  }
0x97: {  	_ =	strace s4  }
0x98: {  	_ =	strace $0x8FFFFFFF  }
0x99: {  	s19 =	sld [smem:$0x3FDB];
	_ =	sdelay $0x1  }
0x9a: {  	s5 =	simm.s32 $_scs_section_size  }
0x9b: {  	s6 =	simm.s32 $_size__tile_overlayer_lowered;
	s7 =	simm.s32 $_tile_overlayer_lowered  }
0x9c: {  	s22 =	simm.s32 $0x1BFF;
	s21 =	sshll.u32 s7, $0x1;
	s4 =	sadd.s32 s5, s19  }
0x9d: {  	s8 =	simm.s32 $0x0;
	s20 =	sshll.u32 s6, $0x1;
	s6 =	sadd.s32 s21, s4  }
0x9e: {  	[timem:s8], [sflag:s22] =	dma.local [hbm:s6], s20  }
0x9f: {  	_ =	swait.ge [sflag:s22], s20  }
0xa0: {  	s5 =	ssub.s32 $0x0, s20;
	[sflag:s22] =	ssyncset.done $0x0  }
0xa1: {  	[sflag:s22] =	ssyncadd.s32 s5;
	_ =	sdelay $0x1  }
0xa2: {  	s23 =	simm.s32 $0x1B8B  }
0xa3: {  	_ =	swait.ge [sflag:s23], $0x1  }
0xa4: {  	[sflag:s23] =	ssyncset.done $0x0  }
0xa5: {  	s25 =	simm.s32 $0x1B8E;
	s24 =	sld [smem:$0x3FFE];
	[sflag:s23] =	ssyncadd.s32 $0xFFFFFFFF  }
0xa6: {  	s26 =	simm.s32 $execute0_lowered;
	[smem:$0x3FD2] =	sst s25  }
0xa7: {  	s6 =	sshll.u32 s26, $0x1;
	_ =	strace $0x80000046;
	[dreg:$0x1] =	wrdreg $0xFFFFFFFF  }
0xa8: {  	s28 =	simm.s32 $_size_execute0_lowered;
	s4 =	sadd.s32 s4, s6;
	[dreg:$0x0] =	wrdreg $0x0  }
0xa9: {  	s6 =	sshll.u32 s28, $0x1;
	[dreg:$0x2] =	wrdreg s4  }
0xaa: {  	[dreg:$0x3] =	wrdreg s6  }
0xab: {  	[dreg:$0x4] =	wrdreg $0xC0  }
0xac: {  	_ =	task [dreg:s8], $0x5FFFF  }
0xad: {  	[dreg:$0x1] =	wrdreg $0xFFFFFFFF  }
0xae: {  	[dreg:$0x0] =	wrdreg $0x60  }
0xaf: {  	[dreg:$0x2] =	wrdreg s24  }
0xb0: {  	[dreg:$0x3] =	wrdreg s2  }
0xb1: {  	[dreg:$0x4] =	wrdreg s18  }
0xb2: {  	[dreg:$0x5] =	wrdreg $0x9  }
0xb3: {  	_ =	task.clear_ibuf [dreg:s8], $0x6FFFF;
	_ =	strace $0x90000046  }
0xb4: {  	s29 =	simm.s32 $0x9;
	_ =	strace $0x80000048  }
0xb5: {  	_ =	swait.ge [sflag:s29], $0x1  }
0xb6: {  	[sflag:s29] =	ssyncadd.s32 $0xFFFFFFFF  }
0xb7: {  	_ =	strace $0x90000048  }
0xb8: {  	_ =	sfence  }
0xb9: {  	s30 =	sld [smem:$0x0];
	_ =	sdelay $0x2  }
0xba: {  	s31 =	sshll.u32 s1, $0xD;
	s1 =	sshrl.u32 s1, $0x2  }
0xbb: {  	s3 =	sand.u32 $0x4000, s31;
	s1 =	sadd.s32 s1, s30  }
0xbc: {  	s0 =	sor.u32 s3, s0;
	s1 =	sshll.u32 s1, $0x11  }
0xbd: {  	s0 =	sor.u32 s1, s0  }
0xbe: {  	s0 =	sadd.s32 $0x8F2B, s0  }
0xbf: {  	[sflag:s0] =	ssyncadd.remote.s32 $0x1  }
0xc0: {  	_ =	sfence.sel $0xFFFF  }
0xc1: {  	[dreg:$0x0] =	wrdreg $0xFFFFFFFF;
	(pc) =	sbr.abs _section_cstart, $3  }
0xc2: {  	[dreg:$0x1] =	wrdreg $0xFFFFFFFF  }
0xc3: {  	_ =	task.clear_ibuf [dreg:s8], $0x2FFFF;
	_ =	strace $0x9FFFFFFF  }
0xc4: {  	(tm) =	ssettm $0x7FFFFFFF  }
0xc5: {  	_ =	shalt  }
tec
execute0_lowered:
.L_overlay_start_1:
0x0: {  	(tag) =	ssettag $0x1  }
0x1: {  	s3 =	rddreg [dreg:$0x0]  }
0x2: {  	s4 =	rddreg [dreg:$0x1]  }
0x3: {  	s1 =	srdreg.scid;
	s0 =	stileid.u32  }
0x4: {  	s5 =	rddreg [dreg:$0x2];
	s2 =	simm.s32 $0x0;
	s10 =	simm.s32 $0x1140  }
0x5: {  	s11 =	simm.s32 $0x80;
	s12 =	simm.s32 $0x2140;
	s13 =	simm.s32 $0xC0  }
0x6: {  	s14 =	simm.s32 $0x3140;
	s15 =	simm.s32 $0x100;
	s16 =	simm.s32 $0x4140  }
0x7: {  	s17 =	simm.s32 $0x1;
	s18 =	simm.s32 $0x5140;
	s19 =	simm.s32 $0x0  }
0x8: {  	s6 =	sand.u32 $0x1, s1;
	s7 =	sshll.u32 s0, $0x1;
	s1 =	rddreg [dreg:$0x3]  }
0x9: {  	[smem:$0x7FF] =	sst s2;
	s7 =	sor.u32 s6, s7;
	s6 =	ssub.s32 $0x2, s6  }
0xa: {  	s3 =	sadd.s32 $0x186E00, s3;
	_ =	strace $0x80000047;
	s9 =	sshrl.u32 s6, $0x1  }
0xb: {  	s8 =	smul.u32 $0x28, s7;
	s7 =	sshll.u32 s7, $0x8;
	s6 =	ssub.s32 s6, s9  }
0xc: {  	s5 =	sadd.s32 s5, s7;
	s7 =	simm.s32 $0x2;
	s9 =	simm.s32 $0x140  }
0xd: {  	s4 =	sadd.s32 s4, s8;
	s6 =	smax.u32 s6, $0x1;
	s8 =	simm.s32 $0x40  }
.LBB2_1:
0xe: {  	[tilespmem:s2], [sflag:$0x2] =	stream.linear.gather [hbm4b:s4+s2], $0x140, $0x38;
	[tilespmem:$0x5940] =	vst v63  }
0xf: {  	_ =	swait.ge [sflag:s7], $0x140  }
0x10: {  	[sflag:s7] =	ssyncset.done $0x0  }
0x11: {  	[sflag:s7] =	ssyncadd.s32 $0xFFFFFEC0  }
0x12: {  	[tilespmem:s9], [sflag:$0x1] =	stream.indirect.gather [hbm4b:s3+s8], $0x40, s2, s8, $0xb8;
	[tilespmem:$0x5940] =	vst v63  }
0x13: {  	_ = 	snop  }
0x14: {  	[tilespmem:s10], [sflag:$0x1] =	stream.indirect.gather [hbm4b:s3+s8], $0x40, s8, s8, $0xb8;
	[tilespmem:$0x5940] =	vst v63  }
0x15: {  	_ = 	snop  }
0x16: {  	[tilespmem:s12], [sflag:$0x1] =	stream.indirect.gather [hbm4b:s3+s8], $0x40, s11, s8, $0xb8;
	[tilespmem:$0x5940] =	vst v63  }
0x17: {  	_ = 	snop  }
0x18: {  	[tilespmem:s14], [sflag:$0x1] =	stream.indirect.gather [hbm4b:s3+s8], $0x40, s13, s8, $0xb8;
	[tilespmem:$0x5940] =	vst v63  }
0x19: {  	_ = 	snop  }
0x1a: {  	[tilespmem:s16], [sflag:$0x1] =	stream.indirect.gather [hbm4b:s3+s8], $0x40, s15, s8, $0xb8;
	[tilespmem:$0x5940] =	vst v63  }
0x1b: {  	_ =	swait.ge [sflag:s17], $0x1000  }
0x1c: {  	[sflag:s17] =	ssyncset.done $0x0  }
0x1d: {  	[sflag:s17] =	ssyncadd.s32 $0xFFFFF000  }
0x1e: {  	_ =	swait.ge [sflag:s17], $0x1000  }
0x1f: {  	[sflag:s17] =	ssyncset.done $0x0  }
0x20: {  	[sflag:s17] =	ssyncadd.s32 $0xFFFFF000  }
0x21: {  	_ =	swait.ge [sflag:s17], $0x1000  }
0x22: {  	[sflag:s17] =	ssyncset.done $0x0  }
0x23: {  	[sflag:s17] =	ssyncadd.s32 $0xFFFFF000  }
0x24: {  	_ =	swait.ge [sflag:s17], $0x1000  }
0x25: {  	[sflag:s17] =	ssyncset.done $0x0  }
0x26: {  	[sflag:s17] =	ssyncadd.s32 $0xFFFFF000  }
0x27: {  	_ =	swait.ge [sflag:s17], $0x1000  }
0x28: {  	[sflag:s17] =	ssyncset.done $0x0  }
0x29: {  	s20 =	simm.s32 $0x280;
	[sflag:s17] =	ssyncadd.s32 $0xFFFFF000  }
0x2a: {  	v0 =	vld [tilespmem:s20+$0xFFFFFF00]  }
0x2b: {  	v1 =	vld [tilespmem:s20+$0xFFFFFEC0];
	_ =	sdelay $0x1  }
0x2c: {  	v2 =	vld [tilespmem:s20+$0xFFFFFF40];
	_ =	sdelay $0x1  }
0x2d: {  	v3 =	vld [tilespmem:s20+$0xFFFFFF80]  }
0x2e: {  	v0 =	vadd.f32 v0, v1  }
0x2f: {  	v1 =	vld [tilespmem:s20+$0xFFFFFFC0]  }
0x30: {  	v0 =	vadd.f32 v2, v0  }
0x31: {  	v2 =	vld [tilespmem:s20+$0x0]  }
0x32: {  	v0 =	vadd.f32 v3, v0  }
0x33: {  	v3 =	vld [tilespmem:s20+$0x40]  }
0x34: {  	v0 =	vadd.f32 v1, v0  }
0x35: {  	v1 =	vld [tilespmem:s20+$0x80]  }
0x36: {  	v0 =	vadd.f32 v2, v0  }
0x37: {  	v2 =	vld [tilespmem:s20+$0xC0]  }
0x38: {  	v0 =	vadd.f32 v3, v0  }
0x39: {  	v3 =	vld [tilespmem:s20+$0x100]  }
0x3a: {  	v0 =	vadd.f32 v1, v0;
	_ =	sdelay $0x1  }
0x3b: {  	v0 =	vadd.f32 v2, v0;
	_ =	sdelay $0x1  }
0x3c: {  	v0 =	vadd.f32 v3, v0;
	_ =	sdelay $0x1  }
0x3d: {  	v0 =	vmul.f32 $1.000000010e-01, v0  }
0x3e: {  	s21 =	simm.s32 $0x0  }
0x3f: {  	[tilespmem:s21+$0x5140] =	vst v0  }
0x40: {  	v0 =	vld [tilespmem:s20+$0xFFFFFED0]  }
0x41: {  	v1 =	vld [tilespmem:s20+$0xFFFFFF10];
	_ =	sdelay $0x1  }
0x42: {  	v2 =	vld [tilespmem:s20+$0xFFFFFF50];
	_ =	sdelay $0x1  }
0x43: {  	v3 =	vld [tilespmem:s20+$0xFFFFFF90]  }
0x44: {  	v0 =	vadd.f32 v1, v0  }
0x45: {  	v1 =	vld [tilespmem:s20+$0xFFFFFFD0]  }
0x46: {  	v0 =	vadd.f32 v2, v0  }
0x47: {  	v2 =	vld [tilespmem:s20+$0x10]  }
0x48: {  	v0 =	vadd.f32 v3, v0  }
0x49: {  	v3 =	vld [tilespmem:s20+$0x50]  }
0x4a: {  	v0 =	vadd.f32 v1, v0  }
0x4b: {  	v1 =	vld [tilespmem:s20+$0x90]  }
0x4c: {  	v0 =	vadd.f32 v2, v0  }
0x4d: {  	v2 =	vld [tilespmem:s20+$0xD0]  }
0x4e: {  	v0 =	vadd.f32 v3, v0  }
0x4f: {  	v3 =	vld [tilespmem:s20+$0x110]  }
0x50: {  	v0 =	vadd.f32 v1, v0;
	_ =	sdelay $0x1  }
0x51: {  	v0 =	vadd.f32 v2, v0;
	_ =	sdelay $0x1  }
0x52: {  	v0 =	vadd.f32 v3, v0;
	_ =	sdelay $0x1  }
0x53: {  	v0 =	vmul.f32 $1.000000010e-01, v0;
	_ =	sdelay $0x1  }
0x54: {  	[tilespmem:s21+$0x5150] =	vst v0  }
0x55: {  	v0 =	vld [tilespmem:s20+$0xFFFFFEE0]  }
0x56: {  	v1 =	vld [tilespmem:s20+$0xFFFFFF20];
	_ =	sdelay $0x1  }
0x57: {  	v2 =	vld [tilespmem:s20+$0xFFFFFF60];
	_ =	sdelay $0x1  }
0x58: {  	v3 =	vld [tilespmem:s20+$0xFFFFFFA0]  }
0x59: {  	v0 =	vadd.f32 v1, v0  }
0x5a: {  	v1 =	vld [tilespmem:s20+$0xFFFFFFE0]  }
0x5b: {  	v0 =	vadd.f32 v2, v0  }
0x5c: {  	v2 =	vld [tilespmem:s20+$0x20]  }
0x5d: {  	v0 =	vadd.f32 v3, v0  }
0x5e: {  	v3 =	vld [tilespmem:s20+$0x60]  }
0x5f: {  	v0 =	vadd.f32 v1, v0  }
0x60: {  	v1 =	vld [tilespmem:s20+$0xA0]  }
0x61: {  	v0 =	vadd.f32 v2, v0  }
0x62: {  	v2 =	vld [tilespmem:s20+$0xE0]  }
0x63: {  	v0 =	vadd.f32 v3, v0  }
0x64: {  	v3 =	vld [tilespmem:s20+$0x120]  }
0x65: {  	v0 =	vadd.f32 v1, v0;
	_ =	sdelay $0x1  }
0x66: {  	v0 =	vadd.f32 v2, v0;
	_ =	sdelay $0x1  }
0x67: {  	v0 =	vadd.f32 v3, v0;
	_ =	sdelay $0x1  }
0x68: {  	v0 =	vmul.f32 $1.000000010e-01, v0;
	_ =	sdelay $0x1  }
0x69: {  	[tilespmem:s21+$0x5160] =	vst v0  }
0x6a: {  	v0 =	vld [tilespmem:s20+$0xFFFFFEF0]  }
0x6b: {  	v1 =	vld [tilespmem:s20+$0xFFFFFF30];
	_ =	sdelay $0x1  }
0x6c: {  	v2 =	vld [tilespmem:s20+$0xFFFFFF70];
	_ =	sdelay $0x1  }
0x6d: {  	v3 =	vld [tilespmem:s20+$0xFFFFFFB0]  }
0x6e: {  	v0 =	vadd.f32 v1, v0  }
0x6f: {  	v1 =	vld [tilespmem:s20+$0xFFFFFFF0]  }
0x70: {  	v0 =	vadd.f32 v2, v0  }
0x71: {  	v2 =	vld [tilespmem:s20+$0x30]  }
0x72: {  	v0 =	vadd.f32 v3, v0  }
0x73: {  	v3 =	vld [tilespmem:s20+$0x70]  }
0x74: {  	v0 =	vadd.f32 v1, v0  }
0x75: {  	v1 =	vld [tilespmem:s20+$0xB0]  }
0x76: {  	v0 =	vadd.f32 v2, v0;
	_ =	sdelay $0x1  }
0x77: {  	v2 =	vld [tilespmem:s20+$0xF0];
	v0 =	vadd.f32 v3, v0;
	_ =	sdelay $0x1  }
0x78: {  	v1 =	vadd.f32 v1, v0;
	v0 =	vld [tilespmem:s20+$0x130];
	_ =	sdelay $0x2  }
0x79: {  	s22 =	simm.s32 $0x100;
	v1 =	vadd.f32 v2, v1  }
.LBB2_2:
0x7a: {  	p0 =	sne.s32 s22, $0x1F00  }
0x7b: {  	s20 =	sadd.s32 $0x280, s20;
	s23 =	smov.u32 s22;
	s22 =	sadd.s32 $0x100, s22;
	v0 =	vadd.f32 v0, v1  }
0x7c: {  	_ = 	snop  }
0x7d: {  	v0 =	vmul.f32 $1.000000010e-01, v0;
	_ =	sdelay $0x1  }
0x7e: {  	[tilespmem:s21+$0x5170] =	vst v0  }
0x7f: {  	v0 =	vld [tilespmem:s20+$0xFFFFFF00]  }
0x80: {  	v1 =	vld [tilespmem:s20+$0xFFFFFEC0];
	_ =	sdelay $0x1  }
0x81: {  	v2 =	vld [tilespmem:s20+$0xFFFFFF40];
	_ =	sdelay $0x1  }
0x82: {  	v3 =	vld [tilespmem:s20+$0xFFFFFF80]  }
0x83: {  	v0 =	vadd.f32 v0, v1  }
0x84: {  	v1 =	vld [tilespmem:s20+$0xFFFFFFC0]  }
0x85: {  	v0 =	vadd.f32 v2, v0  }
0x86: {  	v2 =	vld [tilespmem:s20+$0x0]  }
0x87: {  	v0 =	vadd.f32 v3, v0  }
0x88: {  	v3 =	vld [tilespmem:s20+$0x40]  }
0x89: {  	v0 =	vadd.f32 v1, v0  }
0x8a: {  	v1 =	vld [tilespmem:s20+$0x80]  }
0x8b: {  	v0 =	vadd.f32 v2, v0  }
0x8c: {  	v2 =	vld [tilespmem:s20+$0xC0]  }
0x8d: {  	v0 =	vadd.f32 v3, v0  }
0x8e: {  	v3 =	vld [tilespmem:s20+$0x100]  }
0x8f: {  	v0 =	vadd.f32 v1, v0;
	_ =	sdelay $0x1  }
0x90: {  	v0 =	vadd.f32 v2, v0;
	_ =	sdelay $0x1  }
0x91: {  	v0 =	vadd.f32 v3, v0;
	_ =	sdelay $0x1  }
0x92: {  	v0 =	vmul.f32 $1.000000010e-01, v0  }
0x93: {  	s21 =	sshra.s32 s23, $0x2  }
0x94: {  	[tilespmem:s21+$0x5140] =	vst v0  }
0x95: {  	v0 =	vld [tilespmem:s20+$0xFFFFFED0]  }
0x96: {  	v1 =	vld [tilespmem:s20+$0xFFFFFF10];
	_ =	sdelay $0x1  }
0x97: {  	v2 =	vld [tilespmem:s20+$0xFFFFFF50];
	_ =	sdelay $0x1  }
0x98: {  	v3 =	vld [tilespmem:s20+$0xFFFFFF90]  }
0x99: {  	v0 =	vadd.f32 v1, v0  }
0x9a: {  	v1 =	vld [tilespmem:s20+$0xFFFFFFD0]  }
0x9b: {  	v0 =	vadd.f32 v2, v0  }
0x9c: {  	v2 =	vld [tilespmem:s20+$0x10]  }
0x9d: {  	v0 =	vadd.f32 v3, v0  }
0x9e: {  	v3 =	vld [tilespmem:s20+$0x50]  }
0x9f: {  	v0 =	vadd.f32 v1, v0  }
0xa0: {  	v1 =	vld [tilespmem:s20+$0x90]  }
0xa1: {  	v0 =	vadd.f32 v2, v0  }
0xa2: {  	v2 =	vld [tilespmem:s20+$0xD0]  }
0xa3: {  	v0 =	vadd.f32 v3, v0  }
0xa4: {  	v3 =	vld [tilespmem:s20+$0x110]  }
0xa5: {  	v0 =	vadd.f32 v1, v0;
	_ =	sdelay $0x1  }
0xa6: {  	v0 =	vadd.f32 v2, v0;
	_ =	sdelay $0x1  }
0xa7: {  	v0 =	vadd.f32 v3, v0;
	_ =	sdelay $0x1  }
0xa8: {  	v0 =	vmul.f32 $1.000000010e-01, v0;
	_ =	sdelay $0x1  }
0xa9: {  	[tilespmem:s21+$0x5150] =	vst v0  }
0xaa: {  	v0 =	vld [tilespmem:s20+$0xFFFFFEE0]  }
0xab: {  	v1 =	vld [tilespmem:s20+$0xFFFFFF20];
	_ =	sdelay $0x1  }
0xac: {  	v2 =	vld [tilespmem:s20+$0xFFFFFF60];
	_ =	sdelay $0x1  }
0xad: {  	v3 =	vld [tilespmem:s20+$0xFFFFFFA0]  }
0xae: {  	v0 =	vadd.f32 v1, v0  }
0xaf: {  	v1 =	vld [tilespmem:s20+$0xFFFFFFE0]  }
0xb0: {  	v0 =	vadd.f32 v2, v0  }
0xb1: {  	v2 =	vld [tilespmem:s20+$0x20]  }
0xb2: {  	v0 =	vadd.f32 v3, v0  }
0xb3: {  	v3 =	vld [tilespmem:s20+$0x60]  }
0xb4: {  	v0 =	vadd.f32 v1, v0  }
0xb5: {  	v1 =	vld [tilespmem:s20+$0xA0]  }
0xb6: {  	v0 =	vadd.f32 v2, v0  }
0xb7: {  	v2 =	vld [tilespmem:s20+$0xE0]  }
0xb8: {  	v0 =	vadd.f32 v3, v0  }
0xb9: {  	v3 =	vld [tilespmem:s20+$0x120]  }
0xba: {  	v0 =	vadd.f32 v1, v0;
	_ =	sdelay $0x1  }
0xbb: {  	v0 =	vadd.f32 v2, v0;
	_ =	sdelay $0x1  }
0xbc: {  	v0 =	vadd.f32 v3, v0;
	_ =	sdelay $0x1  }
0xbd: {  	v0 =	vmul.f32 $1.000000010e-01, v0;
	_ =	sdelay $0x1  }
0xbe: {  	[tilespmem:s21+$0x5160] =	vst v0  }
0xbf: {  	v0 =	vld [tilespmem:s20+$0xFFFFFEF0]  }
0xc0: {  	v1 =	vld [tilespmem:s20+$0xFFFFFF30]  }
0xc1: {  	v2 =	vld [tilespmem:s20+$0xFFFFFF70]  }
0xc2: {  	v3 =	vld [tilespmem:s20+$0xFFFFFFB0]  }
0xc3: {  	v4 =	vld [tilespmem:s20+$0xFFFFFFF0]  }
0xc4: {  	v5 =	vld [tilespmem:s20+$0x30]  }
0xc5: {  	v0 =	vadd.f32 v1, v0;
	v1 =	vld [tilespmem:s20+$0x70]  }
0xc6: {  	v6 =	vld [tilespmem:s20+$0xB0]  }
0xc7: {  	v2 =	vadd.f32 v2, v0;
	v7 =	vld [tilespmem:s20+$0xF0]  }
0xc8: {  	v0 =	vld [tilespmem:s20+$0x130]  }
0xc9: {  	v2 =	vadd.f32 v3, v2;
	_ =	sdelay $0x1  }
0xca: {  	v2 =	vadd.f32 v4, v2;
	_ =	sdelay $0x1  }
0xcb: {  	v2 =	vadd.f32 v5, v2;
	_ =	sdelay $0x1  }
.Ltmp0:
0xcc: {  	v1 =	vadd.f32 v1, v2;
	(pc) =	sbr.rel @p0 .LBB2_2-.Ltmp0, $3  }
0xcd: {  	_ = 	snop  }
0xce: {  	v1 =	vadd.f32 v6, v1;
	_ =	sdelay $0x1  }
0xcf: {  	v1 =	vadd.f32 v7, v1  }
0xd0: {  	_ = 	snop  }
0xd1: {  	v0 =	vadd.f32 v0, v1;
	_ =	sdelay $0x1  }
0xd2: {  	s19 =	sadd.s32 $0x1, s19;
	v0 =	vmul.f32 $1.000000010e-01, v0  }
0xd3: {  	p0 =	sne.s32 s19, s6  }
.Ltmp1:
0xd4: {  	[tilespmem:s21+$0x5170] =	vst v0;
	(pc) =	sbr.rel @p0 .LBB2_1-.Ltmp1, $4  }
0xd5: {  	[hbm4b:s5+s2] =	stream.linear.scatter [tilespmem:s18], [sflag:$0x2], $0x800, $0x38;
	[tilespmem:$0x5940] =	vst v63  }
0xd6: {  	_ =	swait.ge [sflag:s7], $0x800  }
0xd7: {  	[sflag:s7] =	ssyncset.done $0x0  }
0xd8: {  	[sflag:s7] =	ssyncadd.s32 $0xFFFFF800  }
0xd9: {  	_ =	sfence.sel $0x180000  }
0xda: {  	[bflag:$0x0] =	sbarrier.arrive $0xFFFF  }
0xdb: {  	p0 =	sne.s32 s0, $0x0;
	_ =	strace $0x90000047  }
0xdc: {  	s0 =	sadd.s32 @!p0 $0x100000, s1;
	[bflag:$0x2] =	sbarrier.arrive $0xFFFF  }
0xdd: {  	[sflag:s0] =	ssyncadd.tile.s32 @!p0 $0x1;
	_ =	shalt  }
.Lfunc_end2:
_tile_overlayer_lowered:
.L_overlay_start_2:
0xde: {  	(tag) =	ssettag $0x2  }
0xdf: {  	s0 =	rddreg [dreg:$0x0];
	s2 =	stileid.u32  }
0xe0: {  	s1 =	rddreg [dreg:$0x1];
	p0 =	sne.s32 s2, $0x0  }
0xe1: {  	s3 =	rddreg [dreg:$0x2];
	[bflag:$0x3] =	sbarrier.arrive $0xFFFF;
	s2 =	simm.s32 @!p0 $0x1C02  }
0xe2: {  	[timem:s3], [sflag:s2] =	dma.local @!p0 [hbm:s0], s1  }
0xe3: {  	s0 =	simm.s32 @!p0 $0x2  }
0xe4: {  	_ =	swait.ge @!p0 [sflag:s0], s1  }
0xe5: {  	s1 =	ssub.s32 @!p0 $0x0, s1;
	[sflag:s0] =	ssyncset.done @!p0 $0x0  }
0xe6: {  	[sflag:s0] =	ssyncadd.s32 @!p0 s1  }
0xe7: {  	[bflag:$0x3] =	sbarrier.arrive $0xFFFF  }
0xe8: {  	_ =	shalt  }

</sc_bundles>
